<compile_context>
chip_gen: v7x
topology: tpu7x:2x2x1
jax: 0.10.2.dev20260603
libtpu: 0.0.44.dev20260713+nightly
codegen_flags: <defaults>
</compile_context>

<pallas_src>
import functools

import jax
import jax.numpy as jnp
from jax import lax
from jax.experimental import pallas as pl
from jax.experimental.pallas import tpu as pltpu
from jax.experimental.pallas import tpu_sc as plsc

NUM_EMBEDDINGS = 8192
EMBEDDING_DIM = 64
COMMITMENT_COST = 0.25

N_ROWS = 8 * 1024
ROW_BLK = 2048
CODE_BLK = 2048
N_RB = N_ROWS // ROW_BLK
N_CB = NUM_EMBEDDINGS // CODE_BLK


def _argmin_body(x_ref, e_ref, idx_ref, loss_ref, minv_ref, mini_ref,
                 mind_ref, acc_ref):
    i = pl.program_id(0)
    j = pl.program_id(1)

    x = x_ref[...]
    e = e_ref[...]
    xb = x.astype(jnp.bfloat16).astype(jnp.float32)
    mm = lax.dot_general(
        xb, e, (((1,), (1,)), ((), ())),
        preferred_element_type=jnp.float32)
    row_sq = jnp.sum(x * x, axis=1, keepdims=True)
    e_sq = jnp.sum(e * e, axis=1)[None, :]

    LN = 128
    NS = CODE_BLK // LN
    mv = None
    mi = None
    for s in range(NS):
        ds = ((row_sq + e_sq[:, s * LN:(s + 1) * LN])
              - 2.0 * mm[:, s * LN:(s + 1) * LN])
        if s == 0:
            mv = ds
            mi = jnp.zeros((ROW_BLK, LN), jnp.float32)
        else:
            lt = ds < mv
            mv = jnp.where(lt, ds, mv)
            mi = jnp.where(lt, jnp.float32(s), mi)

    lane = lax.broadcasted_iota(jnp.int32, (ROW_BLK, LN), 1).astype(jnp.float32)
    jf = mi * jnp.float32(LN) + lane
    bmin = jnp.min(mv, axis=1, keepdims=True)
    barg_f = jnp.min(jnp.where(mv == bmin, jf, jnp.float32(2 ** 30)),
                     axis=1, keepdims=True)
    barg = barg_f.astype(jnp.int32) + j * CODE_BLK

    bmin_r = bmin.astype(jnp.bfloat16).astype(jnp.float32)

    @pl.when(j == 0)
    def _():
        minv_ref[...] = bmin_r
        mini_ref[...] = barg
        mind_ref[...] = bmin

    @pl.when(j > 0)
    def _():
        better = bmin < minv_ref[...]
        minv_ref[...] = jnp.where(better, bmin_r, minv_ref[...])
        mini_ref[...] = jnp.where(better, barg, mini_ref[...])
        mind_ref[...] = jnp.where(better, bmin, mind_ref[...])

    @pl.when(j == N_CB - 1)
    def _():
        idx_ref[...] = mini_ref[...]
        part = jnp.sum(mind_ref[...])
        acc = jnp.where(i == 0, 0.0, acc_ref[0, 0]) + part
        acc_ref[0, 0] = acc
        scale = (1.0 + COMMITMENT_COST) / (N_ROWS * EMBEDDING_DIM)
        loss_ref[...] = jnp.full((1, 1), acc * scale, jnp.float32)


_argmin_call = pl.pallas_call(
    _argmin_body,
    grid=(N_RB, N_CB),
    in_specs=[
        pl.BlockSpec((ROW_BLK, EMBEDDING_DIM), lambda i, j: (i, 0)),
        pl.BlockSpec((CODE_BLK, EMBEDDING_DIM), lambda i, j: (j, 0)),
    ],
    out_specs=[
        pl.BlockSpec((ROW_BLK, 1), lambda i, j: (i, 0)),
        pl.BlockSpec((1, 1), lambda i, j: (0, 0)),
    ],
    out_shape=[
        jax.ShapeDtypeStruct((N_ROWS, 1), jnp.int32),
        jax.ShapeDtypeStruct((1, 1), jnp.float32),
    ],
    scratch_shapes=[
        pltpu.VMEM((ROW_BLK, 1), jnp.float32),
        pltpu.VMEM((ROW_BLK, 1), jnp.int32),
        pltpu.VMEM((ROW_BLK, 1), jnp.float32),
        pltpu.SMEM((1, 1), jnp.float32),
    ],
)


def _make_gather():
    nc, ns = 2, 16
    nw = nc * ns
    rows_per_w = N_ROWS // nw
    chunks = rows_per_w // 128

    mesh = plsc.VectorSubcoreMesh(core_axis_name="c", subcore_axis_name="s")

    @functools.partial(
        pl.kernel, mesh=mesh,
        compiler_params=pltpu.CompilerParams(use_tc_tiling_on_sc=False),
        out_type=jax.ShapeDtypeStruct((N_ROWS, EMBEDDING_DIM), jnp.float32),
        scratch_types=[
            pltpu.VMEM((chunks, 128), jnp.int32),
            pltpu.VMEM((rows_per_w, EMBEDDING_DIM), jnp.float32),
            pltpu.SemaphoreType.DMA,
        ],
    )
    def gather_k(table_hbm, idx_hbm, out_hbm, idx_v, rows_v, sem):
        wid = lax.axis_index("s") * nc + lax.axis_index("c")
        pltpu.sync_copy(idx_hbm.at[pl.ds(wid * chunks, chunks)], idx_v)
        cps = [
            pltpu.async_copy(table_hbm.at[idx_v.at[k]],
                             rows_v.at[pl.ds(k * 128, 128)], sem)
            for k in range(chunks)
        ]
        for cp in cps:
            cp.wait()
        pltpu.sync_copy(rows_v, out_hbm.at[pl.ds(wid * rows_per_w, rows_per_w)])

    return gather_k


_gather_cache = []


def _gather_call(embeddings, idx_rows):
    if not _gather_cache:
        _gather_cache.append(_make_gather())
    return _gather_cache[0](embeddings, idx_rows)


def kernel(inputs, embeddings):
    input_shape = inputs.shape
    flat = inputs.reshape(-1, EMBEDDING_DIM)
    idx2d, loss11 = _argmin_call(flat, embeddings)
    idx_rows = idx2d.reshape(-1, 128)
    quantized = _gather_call(embeddings, idx_rows).reshape(input_shape)
    return quantized, loss11[0, 0], idx2d

# --- scband reference (transcript-rebuilt; emitter-appended) ---
"""Pipeline reference for scband-vector-quantizer-3813930959166 (READ-ONLY COPY).

The authoritative reference and input builder live on the scoring server;
editing this copy changes nothing except your own understanding.
"""

import jax, jax.numpy as jnp
import numpy as np

NUM_EMBEDDINGS = 8192
EMBEDDING_DIM = 64
COMMITMENT_COST = 0.25


def setup_inputs(seed: int = 0) -> dict:
    key = jax.random.key(seed)
    k1, k2 = jax.random.split(key)
    inputs = jax.random.normal(k1, (8, 1024, EMBEDDING_DIM), dtype=jnp.float32)
    embeddings = jax.random.uniform(
        k2, (NUM_EMBEDDINGS, EMBEDDING_DIM), dtype=jnp.float32,
        minval=-1.0 / NUM_EMBEDDINGS, maxval=1.0 / NUM_EMBEDDINGS)
    return {"inputs": inputs, "embeddings": embeddings}


def reference(inputs, embeddings):
    input_shape = inputs.shape
    flat_input = inputs.reshape(-1, EMBEDDING_DIM)
    distances = (jnp.sum(flat_input ** 2, axis=1, keepdims=True)
                 + jnp.sum(embeddings ** 2, axis=1)
                 - 2.0 * jnp.matmul(flat_input, embeddings.T))
    encoding_indices = jnp.argmin(distances, axis=1)[:, None]
    encodings = jax.nn.one_hot(encoding_indices[:, 0], NUM_EMBEDDINGS, dtype=jnp.float32)
    quantized = jnp.matmul(encodings, embeddings).reshape(input_shape)
    e_latent_loss = jnp.mean((jax.lax.stop_gradient(quantized) - inputs) ** 2)
    q_latent_loss = jnp.mean((quantized - jax.lax.stop_gradient(inputs)) ** 2)
    loss = q_latent_loss + COMMITMENT_COST * e_latent_loss
    quantized_st = inputs + jax.lax.stop_gradient(quantized - inputs)
    return (quantized_st, loss, encoding_indices)

if __name__ == "__main__":
    import jax
    _d = setup_inputs()
    print(jax.jit(kernel)(*tuple(_d.values())))

</pallas_src>

<mosaic_0001>
#map = affine_map<(d0, d1) -> (0, 0)>
module attributes {stable_mosaic.version = 14 : i64} {
  func.func @gather_k(%arg0: i32, %arg1: i32, %arg2: memref<8192x64xf32, #tpu.memory_space<hbm>>, %arg3: memref<64x128xi32, #tpu.memory_space<hbm>>, %arg4: memref<8192x64xf32, #tpu.memory_space<hbm>>, %arg5: memref<2x128xi32, #tpu.memory_space<vmem>>, %arg6: memref<256x64xf32, #tpu.memory_space<vmem>>, %arg7: memref<!tpu.dma_semaphore, #tpu.memory_space<semaphore_mem>>) attributes {dimension_semantics = [#tpu.dimension_semantics<core_parallel>, #tpu.dimension_semantics<subcore_parallel>], iteration_bounds = array<i64: 2, 16>, scalar_prefetch = 0 : i64, scratch_operands = 3 : i64, tpu.core_type = #tpu.core_type<sc_vector_subcore>, window_params = [{transform_indices = #map}, {transform_indices = #map}, {transform_indices = #map}]} {
    %mul3A = arith.constant 2 : i32
    %mul3A_0 = arith.muli %arg1, %mul3A : i32
    %add3A = arith.addi %mul3A_0, %arg0 : i32
    %mul3A_1 = arith.constant 2 : i32
    %mul3A_2 = arith.muli %add3A, %mul3A_1 : i32
    "tpu.region"() ({
      %run_scoped3A = tpu.sem_alloc : memref<!tpu.dma_semaphore, #tpu.memory_space<semaphore_mem>>
      %dma_start3A_43 = arith.constant 0 : i32
      %dma_start3A_44 = tpu.memref_slice %arg3[%mul3A_2, %dma_start3A_43] : memref<64x128xi32, #tpu.memory_space<hbm>> -> memref<2x128xi32, #tpu.memory_space<hbm>>
      %dma_start3A_45 = arith.constant 0 : i32
      %dma_start3A_46 = tpu.memref_slice %arg3[%mul3A_2, %dma_start3A_45] : memref<64x128xi32, #tpu.memory_space<hbm>> -> memref<2x128xi32, #tpu.memory_space<hbm>>
      tpu.enqueue_dma source(%dma_start3A_46 : memref<2x128xi32, #tpu.memory_space<hbm>>) target(%arg5 : memref<2x128xi32, #tpu.memory_space<vmem>>) target_semaphore(%run_scoped3A : memref<!tpu.dma_semaphore, #tpu.memory_space<semaphore_mem>>)
      %dma_wait3A_47 = arith.constant 0 : i32
      %dma_wait3A_48 = tpu.memref_slice %arg3[%mul3A_2, %dma_wait3A_47] : memref<64x128xi32, #tpu.memory_space<hbm>> -> memref<2x128xi32, #tpu.memory_space<hbm>>
      %dma_wait3A_49 = arith.constant 0 : i32
      %dma_wait3A_50 = tpu.memref_slice %arg3[%mul3A_2, %dma_wait3A_49] : memref<64x128xi32, #tpu.memory_space<hbm>> -> memref<2x128xi32, #tpu.memory_space<hbm>>
      tpu.wait_dma2 semaphore(%run_scoped3A : memref<!tpu.dma_semaphore, #tpu.memory_space<semaphore_mem>>) src(%dma_wait3A_50 : memref<2x128xi32, #tpu.memory_space<hbm>>) dst(%arg5 : memref<2x128xi32, #tpu.memory_space<vmem>>)
      tpu.yield
    }) : () -> ()
    %dma_start3A = arith.constant 0 : i32
    %dma_start3A_3 = arith.constant 0 : i32
    %dma_start3A_4 = arith.constant 0 : i32
    %dma_start3A_5 = tpu.memref_slice %arg6[%dma_start3A_3, %dma_start3A_4] : memref<256x64xf32, #tpu.memory_space<vmem>> -> memref<128x64xf32, #tpu.memory_space<vmem>>
    %dma_start3A_6 = arith.constant 0 : i32
    %dma_start3A_7 = tpu.memref_slice %arg5[%dma_start3A, %dma_start3A_6] : memref<2x128xi32, #tpu.memory_space<vmem>> -> memref<1x128xi32, #tpu.memory_space<vmem>>
    %dma_start3A_8 = tpu.memref_squeeze %dma_start3A_7 : memref<1x128xi32, #tpu.memory_space<vmem>> -> memref<128xi32, #tpu.memory_space<vmem>>
    %dma_start3A_9 = arith.constant 0 : i32
    %dma_start3A_10 = arith.constant 0 : i32
    %dma_start3A_11 = tpu.memref_slice %arg2[%dma_start3A_9, %dma_start3A_10] : memref<8192x64xf32, #tpu.memory_space<hbm>> -> memref<8192x64xf32, #tpu.memory_space<hbm>>
    tpu.enqueue_indirect_dma source(%dma_start3A_11 : memref<8192x64xf32, #tpu.memory_space<hbm>>) target(%dma_start3A_5 : memref<128x64xf32, #tpu.memory_space<vmem>>) offsets(%dma_start3A_8 : memref<128xi32, #tpu.memory_space<vmem>>) semaphore(%arg7 : memref<!tpu.dma_semaphore, #tpu.memory_space<semaphore_mem>>)
    %dma_start3A_12 = arith.constant 1 : i32
    %dma_start3A_13 = arith.constant 128 : i32
    %dma_start3A_14 = arith.constant 0 : i32
    %dma_start3A_15 = tpu.memref_slice %arg6[%dma_start3A_13, %dma_start3A_14] : memref<256x64xf32, #tpu.memory_space<vmem>> -> memref<128x64xf32, #tpu.memory_space<vmem>>
    %dma_start3A_16 = arith.constant 0 : i32
    %dma_start3A_17 = tpu.memref_slice %arg5[%dma_start3A_12, %dma_start3A_16] : memref<2x128xi32, #tpu.memory_space<vmem>> -> memref<1x128xi32, #tpu.memory_space<vmem>>
    %dma_start3A_18 = tpu.memref_squeeze %dma_start3A_17 : memref<1x128xi32, #tpu.memory_space<vmem>> -> memref<128xi32, #tpu.memory_space<vmem>>
    %dma_start3A_19 = arith.constant 0 : i32
    %dma_start3A_20 = arith.constant 0 : i32
    %dma_start3A_21 = tpu.memref_slice %arg2[%dma_start3A_19, %dma_start3A_20] : memref<8192x64xf32, #tpu.memory_space<hbm>> -> memref<8192x64xf32, #tpu.memory_space<hbm>>
    tpu.enqueue_indirect_dma source(%dma_start3A_21 : memref<8192x64xf32, #tpu.memory_space<hbm>>) target(%dma_start3A_15 : memref<128x64xf32, #tpu.memory_space<vmem>>) offsets(%dma_start3A_18 : memref<128xi32, #tpu.memory_space<vmem>>) semaphore(%arg7 : memref<!tpu.dma_semaphore, #tpu.memory_space<semaphore_mem>>)
    %dma_wait3A = arith.constant 0 : i32
    %dma_wait3A_22 = arith.constant 0 : i32
    %dma_wait3A_23 = arith.constant 0 : i32
    %dma_wait3A_24 = tpu.memref_slice %arg6[%dma_wait3A_22, %dma_wait3A_23] : memref<256x64xf32, #tpu.memory_space<vmem>> -> memref<128x64xf32, #tpu.memory_space<vmem>>
    %dma_wait3A_25 = arith.constant 0 : i32
    %dma_wait3A_26 = tpu.memref_slice %arg5[%dma_wait3A, %dma_wait3A_25] : memref<2x128xi32, #tpu.memory_space<vmem>> -> memref<1x128xi32, #tpu.memory_space<vmem>>
    %dma_wait3A_27 = tpu.memref_squeeze %dma_wait3A_26 : memref<1x128xi32, #tpu.memory_space<vmem>> -> memref<128xi32, #tpu.memory_space<vmem>>
    %dma_wait3A_28 = arith.constant 0 : i32
    %dma_wait3A_29 = arith.constant 0 : i32
    %dma_wait3A_30 = tpu.memref_slice %arg2[%dma_wait3A_28, %dma_wait3A_29] : memref<8192x64xf32, #tpu.memory_space<hbm>> -> memref<8192x64xf32, #tpu.memory_space<hbm>>
    tpu.wait_indirect_dma semaphore(%arg7 : memref<!tpu.dma_semaphore, #tpu.memory_space<semaphore_mem>>) src(%dma_wait3A_30 : memref<8192x64xf32, #tpu.memory_space<hbm>>) dst(%dma_wait3A_24 : memref<128x64xf32, #tpu.memory_space<vmem>>)
    %dma_wait3A_31 = arith.constant 1 : i32
    %dma_wait3A_32 = arith.constant 128 : i32
    %dma_wait3A_33 = arith.constant 0 : i32
    %dma_wait3A_34 = tpu.memref_slice %arg6[%dma_wait3A_32, %dma_wait3A_33] : memref<256x64xf32, #tpu.memory_space<vmem>> -> memref<128x64xf32, #tpu.memory_space<vmem>>
    %dma_wait3A_35 = arith.constant 0 : i32
    %dma_wait3A_36 = tpu.memref_slice %arg5[%dma_wait3A_31, %dma_wait3A_35] : memref<2x128xi32, #tpu.memory_space<vmem>> -> memref<1x128xi32, #tpu.memory_space<vmem>>
    %dma_wait3A_37 = tpu.memref_squeeze %dma_wait3A_36 : memref<1x128xi32, #tpu.memory_space<vmem>> -> memref<128xi32, #tpu.memory_space<vmem>>
    %dma_wait3A_38 = arith.constant 0 : i32
    %dma_wait3A_39 = arith.constant 0 : i32
    %dma_wait3A_40 = tpu.memref_slice %arg2[%dma_wait3A_38, %dma_wait3A_39] : memref<8192x64xf32, #tpu.memory_space<hbm>> -> memref<8192x64xf32, #tpu.memory_space<hbm>>
    tpu.wait_indirect_dma semaphore(%arg7 : memref<!tpu.dma_semaphore, #tpu.memory_space<semaphore_mem>>) src(%dma_wait3A_40 : memref<8192x64xf32, #tpu.memory_space<hbm>>) dst(%dma_wait3A_34 : memref<128x64xf32, #tpu.memory_space<vmem>>)
    %mul3A_41 = arith.constant 256 : i32
    %mul3A_42 = arith.muli %add3A, %mul3A_41 : i32
    "tpu.region"() ({
      %run_scoped3A = tpu.sem_alloc : memref<!tpu.dma_semaphore, #tpu.memory_space<semaphore_mem>>
      %dma_start3A_43 = arith.constant 0 : i32
      %dma_start3A_44 = tpu.memref_slice %arg4[%mul3A_42, %dma_start3A_43] : memref<8192x64xf32, #tpu.memory_space<hbm>> -> memref<256x64xf32, #tpu.memory_space<hbm>>
      %dma_start3A_45 = arith.constant 0 : i32
      %dma_start3A_46 = tpu.memref_slice %arg4[%mul3A_42, %dma_start3A_45] : memref<8192x64xf32, #tpu.memory_space<hbm>> -> memref<256x64xf32, #tpu.memory_space<hbm>>
      tpu.enqueue_dma source(%arg6 : memref<256x64xf32, #tpu.memory_space<vmem>>) target(%dma_start3A_46 : memref<256x64xf32, #tpu.memory_space<hbm>>) target_semaphore(%run_scoped3A : memref<!tpu.dma_semaphore, #tpu.memory_space<semaphore_mem>>)
      %dma_wait3A_47 = arith.constant 0 : i32
      %dma_wait3A_48 = tpu.memref_slice %arg4[%mul3A_42, %dma_wait3A_47] : memref<8192x64xf32, #tpu.memory_space<hbm>> -> memref<256x64xf32, #tpu.memory_space<hbm>>
      %dma_wait3A_49 = arith.constant 0 : i32
      %dma_wait3A_50 = tpu.memref_slice %arg4[%mul3A_42, %dma_wait3A_49] : memref<8192x64xf32, #tpu.memory_space<hbm>> -> memref<256x64xf32, #tpu.memory_space<hbm>>
      tpu.wait_dma2 semaphore(%run_scoped3A : memref<!tpu.dma_semaphore, #tpu.memory_space<semaphore_mem>>) src(%arg6 : memref<256x64xf32, #tpu.memory_space<vmem>>) dst(%dma_wait3A_50 : memref<256x64xf32, #tpu.memory_space<hbm>>)
      tpu.yield
    }) : () -> ()
    return
  }
}

module attributes {stable_mosaic.version = 14 : i64} {
  func.func @_argmin_body(%arg0: i32, %arg1: i32, %arg2: memref<2048x64xf32, #tpu.memory_space<vmem>>, %arg3: memref<2048x64xf32, #tpu.memory_space<vmem>>, %arg4: memref<2048x1xi32, #tpu.memory_space<vmem>>, %arg5: memref<1x1xf32, #tpu.memory_space<vmem>>, %arg6: memref<2048x1xf32, #tpu.memory_space<vmem>>, %arg7: memref<2048x1xi32, #tpu.memory_space<vmem>>, %arg8: memref<2048x1xf32, #tpu.memory_space<vmem>>, %arg9: memref<1x1xf32, #tpu.memory_space<smem>>) attributes {dimension_semantics = [#tpu.dimension_semantics<arbitrary>, #tpu.dimension_semantics<arbitrary>], iteration_bounds = array<i64: 4, 4>, scalar_prefetch = 0 : i64, scratch_operands = 4 : i64, tpu.core_type = #tpu.core_type<tc>, window_params = [{transform_indices = @transform_0, window_bounds = array<i64: 2048, 64>}, {transform_indices = @transform_1, window_bounds = array<i64: 2048, 64>}, {transform_indices = @transform_2, window_bounds = array<i64: 2048, 1>}, {pipeline_mode = #tpu.pipeline_mode<synchronous>, transform_indices = @transform_3, window_bounds = array<i64: 1, 1>}]} {
    %get3A = arith.constant 0 : index
    %get3A_0 = arith.constant 0 : index
    %get3A_1 = vector.load %arg2[%get3A, %get3A_0] : memref<2048x64xf32, #tpu.memory_space<vmem>>, vector<2048x64xf32>
    %get3A_2 = arith.constant 0 : index
    %get3A_3 = arith.constant 0 : index
    %get3A_4 = vector.load %arg3[%get3A_2, %get3A_3] : memref<2048x64xf32, #tpu.memory_space<vmem>>, vector<2048x64xf32>
    %convert_element_type3A = arith.truncf %get3A_1 : vector<2048x64xf32> to vector<2048x64xbf16>
    %convert_element_type3A_5 = arith.extf %convert_element_type3A : vector<2048x64xbf16> to vector<2048x64xf32>
    %dot_general3A = arith.constant dense<0.000000e+00> : vector<2048x2048xf32>
    %dot_general3A_6 = tpu.matmul %convert_element_type3A_5, %get3A_4, %dot_general3A {dimension_numbers = #tpu.dot_dimension_numbers<[1], [1], [0], [0], [0, 0, 1, 0], [], []>, transpose_lhs_hint = false} : vector<2048x64xf32>, vector<2048x64xf32>, vector<2048x2048xf32> -> vector<2048x2048xf32>
    %mul3A = arith.mulf %get3A_1, %get3A_1 : vector<2048x64xf32>
    %reduce_sum3A = arith.constant dense<0.000000e+00> : vector<2048xf32>
    %reduce_sum3A_7 = vector.multi_reduction <add>, %mul3A, %reduce_sum3A [1] : vector<2048x64xf32> to vector<2048xf32>
    %broadcast_in_dim3A = vector.shape_cast %reduce_sum3A_7 : vector<2048xf32> to vector<2048x1xf32>
    %mul3A_8 = arith.mulf %get3A_4, %get3A_4 : vector<2048x64xf32>
    %reduce_sum3A_9 = arith.constant dense<0.000000e+00> : vector<2048xf32>
    %reduce_sum3A_10 = vector.multi_reduction <add>, %mul3A_8, %reduce_sum3A_9 [1] : vector<2048x64xf32> to vector<2048xf32>
    %broadcast_in_dim3A_11 = vector.shape_cast %reduce_sum3A_10 : vector<2048xf32> to vector<1x2048xf32>
    %slice3A = vector.extract_strided_slice %broadcast_in_dim3A_11 {offsets = [0, 0], sizes = [1, 128], strides = [1, 1]} : vector<1x2048xf32> to vector<1x128xf32>
    %add3A = vector.broadcast %broadcast_in_dim3A : vector<2048x1xf32> to vector<2048x128xf32>
    %add3A_12 = vector.broadcast %slice3A : vector<1x128xf32> to vector<2048x128xf32>
    %add3A_13 = arith.addf %add3A, %add3A_12 : vector<2048x128xf32>
    %slice3A_14 = vector.extract_strided_slice %dot_general3A_6 {offsets = [0, 0], sizes = [2048, 128], strides = [1, 1]} : vector<2048x2048xf32> to vector<2048x128xf32>
    %mul3A_15 = arith.constant 2.000000e+00 : f32
    %mul3A_16 = vector.broadcast %mul3A_15 : f32 to vector<2048x128xf32>
    %mul3A_17 = arith.mulf %mul3A_16, %slice3A_14 : vector<2048x128xf32>
    %sub3A = arith.subf %add3A_13, %mul3A_17 : vector<2048x128xf32>
    %broadcast_in_dim3A_18 = arith.constant 0.000000e+00 : f32
    %broadcast_in_dim3A_19 = vector.broadcast %broadcast_in_dim3A_18 : f32 to vector<2048x128xf32>
    %slice3A_20 = vector.extract_strided_slice %broadcast_in_dim3A_11 {offsets = [0, 128], sizes = [1, 128], strides = [1, 1]} : vector<1x2048xf32> to vector<1x128xf32>
    %add3A_21 = vector.broadcast %broadcast_in_dim3A : vector<2048x1xf32> to vector<2048x128xf32>
    %add3A_22 = vector.broadcast %slice3A_20 : vector<1x128xf32> to vector<2048x128xf32>
    %add3A_23 = arith.addf %add3A_21, %add3A_22 : vector<2048x128xf32>
    %slice3A_24 = vector.extract_strided_slice %dot_general3A_6 {offsets = [0, 128], sizes = [2048, 128], strides = [1, 1]} : vector<2048x2048xf32> to vector<2048x128xf32>
    %mul3A_25 = arith.constant 2.000000e+00 : f32
    %mul3A_26 = vector.broadcast %mul3A_25 : f32 to vector<2048x128xf32>
    %mul3A_27 = arith.mulf %mul3A_26, %slice3A_24 : vector<2048x128xf32>
    %sub3A_28 = arith.subf %add3A_23, %mul3A_27 : vector<2048x128xf32>
    %lt3A = arith.cmpf olt, %sub3A_28, %sub3A : vector<2048x128xf32>
    %select_n3A = arith.select %lt3A, %sub3A_28, %sub3A : vector<2048x128xi1>, vector<2048x128xf32>
    %jit3A = arith.constant 1.000000e+00 : f32
    %broadcast_in_dim3A_29 = vector.broadcast %jit3A : f32 to vector<2048x128xf32>
    %select_n3A_30 = arith.select %lt3A, %broadcast_in_dim3A_29, %broadcast_in_dim3A_19 : vector<2048x128xi1>, vector<2048x128xf32>
    %slice3A_31 = vector.extract_strided_slice %broadcast_in_dim3A_11 {offsets = [0, 256], sizes = [1, 128], strides = [1, 1]} : vector<1x2048xf32> to vector<1x128xf32>
    %add3A_32 = vector.broadcast %broadcast_in_dim3A : vector<2048x1xf32> to vector<2048x128xf32>
    %add3A_33 = vector.broadcast %slice3A_31 : vector<1x128xf32> to vector<2048x128xf32>
    %add3A_34 = arith.addf %add3A_32, %add3A_33 : vector<2048x128xf32>
    %slice3A_35 = vector.extract_strided_slice %dot_general3A_6 {offsets = [0, 256], sizes = [2048, 128], strides = [1, 1]} : vector<2048x2048xf32> to vector<2048x128xf32>
    %mul3A_36 = arith.constant 2.000000e+00 : f32
    %mul3A_37 = vector.broadcast %mul3A_36 : f32 to vector<2048x128xf32>
    %mul3A_38 = arith.mulf %mul3A_37, %slice3A_35 : vector<2048x128xf32>
    %sub3A_39 = arith.subf %add3A_34, %mul3A_38 : vector<2048x128xf32>
    %lt3A_40 = arith.cmpf olt, %sub3A_39, %select_n3A : vector<2048x128xf32>
    %select_n3A_41 = arith.select %lt3A_40, %sub3A_39, %select_n3A : vector<2048x128xi1>, vector<2048x128xf32>
    %jit3A_42 = arith.constant 2.000000e+00 : f32
    %broadcast_in_dim3A_43 = vector.broadcast %jit3A_42 : f32 to vector<2048x128xf32>
    %select_n3A_44 = arith.select %lt3A_40, %broadcast_in_dim3A_43, %select_n3A_30 : vector<2048x128xi1>, vector<2048x128xf32>
    %slice3A_45 = vector.extract_strided_slice %broadcast_in_dim3A_11 {offsets = [0, 384], sizes = [1, 128], strides = [1, 1]} : vector<1x2048xf32> to vector<1x128xf32>
    %add3A_46 = vector.broadcast %broadcast_in_dim3A : vector<2048x1xf32> to vector<2048x128xf32>
    %add3A_47 = vector.broadcast %slice3A_45 : vector<1x128xf32> to vector<2048x128xf32>
    %add3A_48 = arith.addf %add3A_46, %add3A_47 : vector<2048x128xf32>
    %slice3A_49 = vector.extract_strided_slice %dot_general3A_6 {offsets = [0, 384], sizes = [2048, 128], strides = [1, 1]} : vector<2048x2048xf32> to vector<2048x128xf32>
    %mul3A_50 = arith.constant 2.000000e+00 : f32
    %mul3A_51 = vector.broadcast %mul3A_50 : f32 to vector<2048x128xf32>
    %mul3A_52 = arith.mulf %mul3A_51, %slice3A_49 : vector<2048x128xf32>
    %sub3A_53 = arith.subf %add3A_48, %mul3A_52 : vector<2048x128xf32>
    %lt3A_54 = arith.cmpf olt, %sub3A_53, %select_n3A_41 : vector<2048x128xf32>
    %select_n3A_55 = arith.select %lt3A_54, %sub3A_53, %select_n3A_41 : vector<2048x128xi1>, vector<2048x128xf32>
    %jit3A_56 = arith.constant 3.000000e+00 : f32
    %broadcast_in_dim3A_57 = vector.broadcast %jit3A_56 : f32 to vector<2048x128xf32>
    %select_n3A_58 = arith.select %lt3A_54, %broadcast_in_dim3A_57, %select_n3A_44 : vector<2048x128xi1>, vector<2048x128xf32>
    %slice3A_59 = vector.extract_strided_slice %broadcast_in_dim3A_11 {offsets = [0, 512], sizes = [1, 128], strides = [1, 1]} : vector<1x2048xf32> to vector<1x128xf32>
    %add3A_60 = vector.broadcast %broadcast_in_dim3A : vector<2048x1xf32> to vector<2048x128xf32>
    %add3A_61 = vector.broadcast %slice3A_59 : vector<1x128xf32> to vector<2048x128xf32>
    %add3A_62 = arith.addf %add3A_60, %add3A_61 : vector<2048x128xf32>
    %slice3A_63 = vector.extract_strided_slice %dot_general3A_6 {offsets = [0, 512], sizes = [2048, 128], strides = [1, 1]} : vector<2048x2048xf32> to vector<2048x128xf32>
    %mul3A_64 = arith.constant 2.000000e+00 : f32
    %mul3A_65 = vector.broadcast %mul3A_64 : f32 to vector<2048x128xf32>
    %mul3A_66 = arith.mulf %mul3A_65, %slice3A_63 : vector<2048x128xf32>
    %sub3A_67 = arith.subf %add3A_62, %mul3A_66 : vector<2048x128xf32>
    %lt3A_68 = arith.cmpf olt, %sub3A_67, %select_n3A_55 : vector<2048x128xf32>
    %select_n3A_69 = arith.select %lt3A_68, %sub3A_67, %select_n3A_55 : vector<2048x128xi1>, vector<2048x128xf32>
    %jit3A_70 = arith.constant 4.000000e+00 : f32
    %broadcast_in_dim3A_71 = vector.broadcast %jit3A_70 : f32 to vector<2048x128xf32>
    %select_n3A_72 = arith.select %lt3A_68, %broadcast_in_dim3A_71, %select_n3A_58 : vector<2048x128xi1>, vector<2048x128xf32>
    %slice3A_73 = vector.extract_strided_slice %broadcast_in_dim3A_11 {offsets = [0, 640], sizes = [1, 128], strides = [1, 1]} : vector<1x2048xf32> to vector<1x128xf32>
    %add3A_74 = vector.broadcast %broadcast_in_dim3A : vector<2048x1xf32> to vector<2048x128xf32>
    %add3A_75 = vector.broadcast %slice3A_73 : vector<1x128xf32> to vector<2048x128xf32>
    %add3A_76 = arith.addf %add3A_74, %add3A_75 : vector<2048x128xf32>
    %slice3A_77 = vector.extract_strided_slice %dot_general3A_6 {offsets = [0, 640], sizes = [2048, 128], strides = [1, 1]} : vector<2048x2048xf32> to vector<2048x128xf32>
    %mul3A_78 = arith.constant 2.000000e+00 : f32
    %mul3A_79 = vector.broadcast %mul3A_78 : f32 to vector<2048x128xf32>
    %mul3A_80 = arith.mulf %mul3A_79, %slice3A_77 : vector<2048x128xf32>
    %sub3A_81 = arith.subf %add3A_76, %mul3A_80 : vector<2048x128xf32>
    %lt3A_82 = arith.cmpf olt, %sub3A_81, %select_n3A_69 : vector<2048x128xf32>
    %select_n3A_83 = arith.select %lt3A_82, %sub3A_81, %select_n3A_69 : vector<2048x128xi1>, vector<2048x128xf32>
    %jit3A_84 = arith.constant 5.000000e+00 : f32
    %broadcast_in_dim3A_85 = vector.broadcast %jit3A_84 : f32 to vector<2048x128xf32>
    %select_n3A_86 = arith.select %lt3A_82, %broadcast_in_dim3A_85, %select_n3A_72 : vector<2048x128xi1>, vector<2048x128xf32>
    %slice3A_87 = vector.extract_strided_slice %broadcast_in_dim3A_11 {offsets = [0, 768], sizes = [1, 128], strides = [1, 1]} : vector<1x2048xf32> to vector<1x128xf32>
    %add3A_88 = vector.broadcast %broadcast_in_dim3A : vector<2048x1xf32> to vector<2048x128xf32>
    %add3A_89 = vector.broadcast %slice3A_87 : vector<1x128xf32> to vector<2048x128xf32>
    %add3A_90 = arith.addf %add3A_88, %add3A_89 : vector<2048x128xf32>
    %slice3A_91 = vector.extract_strided_slice %dot_general3A_6 {offsets = [0, 768], sizes = [2048, 128], strides = [1, 1]} : vector<2048x2048xf32> to vector<2048x128xf32>
    %mul3A_92 = arith.constant 2.000000e+00 : f32
    %mul3A_93 = vector.broadcast %mul3A_92 : f32 to vector<2048x128xf32>
    %mul3A_94 = arith.mulf %mul3A_93, %slice3A_91 : vector<2048x128xf32>
    %sub3A_95 = arith.subf %add3A_90, %mul3A_94 : vector<2048x128xf32>
    %lt3A_96 = arith.cmpf olt, %sub3A_95, %select_n3A_83 : vector<2048x128xf32>
    %select_n3A_97 = arith.select %lt3A_96, %sub3A_95, %select_n3A_83 : vector<2048x128xi1>, vector<2048x128xf32>
    %jit3A_98 = arith.constant 6.000000e+00 : f32
    %broadcast_in_dim3A_99 = vector.broadcast %jit3A_98 : f32 to vector<2048x128xf32>
    %select_n3A_100 = arith.select %lt3A_96, %broadcast_in_dim3A_99, %select_n3A_86 : vector<2048x128xi1>, vector<2048x128xf32>
    %slice3A_101 = vector.extract_strided_slice %broadcast_in_dim3A_11 {offsets = [0, 896], sizes = [1, 128], strides = [1, 1]} : vector<1x2048xf32> to vector<1x128xf32>
    %add3A_102 = vector.broadcast %broadcast_in_dim3A : vector<2048x1xf32> to vector<2048x128xf32>
    %add3A_103 = vector.broadcast %slice3A_101 : vector<1x128xf32> to vector<2048x128xf32>
    %add3A_104 = arith.addf %add3A_102, %add3A_103 : vector<2048x128xf32>
    %slice3A_105 = vector.extract_strided_slice %dot_general3A_6 {offsets = [0, 896], sizes = [2048, 128], strides = [1, 1]} : vector<2048x2048xf32> to vector<2048x128xf32>
    %mul3A_106 = arith.constant 2.000000e+00 : f32
    %mul3A_107 = vector.broadcast %mul3A_106 : f32 to vector<2048x128xf32>
    %mul3A_108 = arith.mulf %mul3A_107, %slice3A_105 : vector<2048x128xf32>
    %sub3A_109 = arith.subf %add3A_104, %mul3A_108 : vector<2048x128xf32>
    %lt3A_110 = arith.cmpf olt, %sub3A_109, %select_n3A_97 : vector<2048x128xf32>
    %select_n3A_111 = arith.select %lt3A_110, %sub3A_109, %select_n3A_97 : vector<2048x128xi1>, vector<2048x128xf32>
    %jit3A_112 = arith.constant 7.000000e+00 : f32
    %broadcast_in_dim3A_113 = vector.broadcast %jit3A_112 : f32 to vector<2048x128xf32>
    %select_n3A_114 = arith.select %lt3A_110, %broadcast_in_dim3A_113, %select_n3A_100 : vector<2048x128xi1>, vector<2048x128xf32>
    %slice3A_115 = vector.extract_strided_slice %broadcast_in_dim3A_11 {offsets = [0, 1024], sizes = [1, 128], strides = [1, 1]} : vector<1x2048xf32> to vector<1x128xf32>
    %add3A_116 = vector.broadcast %broadcast_in_dim3A : vector<2048x1xf32> to vector<2048x128xf32>
    %add3A_117 = vector.broadcast %slice3A_115 : vector<1x128xf32> to vector<2048x128xf32>
    %add3A_118 = arith.addf %add3A_116, %add3A_117 : vector<2048x128xf32>
    %slice3A_119 = vector.extract_strided_slice %dot_general3A_6 {offsets = [0, 1024], sizes = [2048, 128], strides = [1, 1]} : vector<2048x2048xf32> to vector<2048x128xf32>
    %mul3A_120 = arith.constant 2.000000e+00 : f32
    %mul3A_121 = vector.broadcast %mul3A_120 : f32 to vector<2048x128xf32>
    %mul3A_122 = arith.mulf %mul3A_121, %slice3A_119 : vector<2048x128xf32>
    %sub3A_123 = arith.subf %add3A_118, %mul3A_122 : vector<2048x128xf32>
    %lt3A_124 = arith.cmpf olt, %sub3A_123, %select_n3A_111 : vector<2048x128xf32>
    %select_n3A_125 = arith.select %lt3A_124, %sub3A_123, %select_n3A_111 : vector<2048x128xi1>, vector<2048x128xf32>
    %jit3A_126 = arith.constant 8.000000e+00 : f32
    %broadcast_in_dim3A_127 = vector.broadcast %jit3A_126 : f32 to vector<2048x128xf32>
    %select_n3A_128 = arith.select %lt3A_124, %broadcast_in_dim3A_127, %select_n3A_114 : vector<2048x128xi1>, vector<2048x128xf32>
    %slice3A_129 = vector.extract_strided_slice %broadcast_in_dim3A_11 {offsets = [0, 1152], sizes = [1, 128], strides = [1, 1]} : vector<1x2048xf32> to vector<1x128xf32>
    %add3A_130 = vector.broadcast %broadcast_in_dim3A : vector<2048x1xf32> to vector<2048x128xf32>
    %add3A_131 = vector.broadcast %slice3A_129 : vector<1x128xf32> to vector<2048x128xf32>
    %add3A_132 = arith.addf %add3A_130, %add3A_131 : vector<2048x128xf32>
    %slice3A_133 = vector.extract_strided_slice %dot_general3A_6 {offsets = [0, 1152], sizes = [2048, 128], strides = [1, 1]} : vector<2048x2048xf32> to vector<2048x128xf32>
    %mul3A_134 = arith.constant 2.000000e+00 : f32
    %mul3A_135 = vector.broadcast %mul3A_134 : f32 to vector<2048x128xf32>
    %mul3A_136 = arith.mulf %mul3A_135, %slice3A_133 : vector<2048x128xf32>
    %sub3A_137 = arith.subf %add3A_132, %mul3A_136 : vector<2048x128xf32>
    %lt3A_138 = arith.cmpf olt, %sub3A_137, %select_n3A_125 : vector<2048x128xf32>
    %select_n3A_139 = arith.select %lt3A_138, %sub3A_137, %select_n3A_125 : vector<2048x128xi1>, vector<2048x128xf32>
    %jit3A_140 = arith.constant 9.000000e+00 : f32
    %broadcast_in_dim3A_141 = vector.broadcast %jit3A_140 : f32 to vector<2048x128xf32>
    %select_n3A_142 = arith.select %lt3A_138, %broadcast_in_dim3A_141, %select_n3A_128 : vector<2048x128xi1>, vector<2048x128xf32>
    %slice3A_143 = vector.extract_strided_slice %broadcast_in_dim3A_11 {offsets = [0, 1280], sizes = [1, 128], strides = [1, 1]} : vector<1x2048xf32> to vector<1x128xf32>
    %add3A_144 = vector.broadcast %broadcast_in_dim3A : vector<2048x1xf32> to vector<2048x128xf32>
    %add3A_145 = vector.broadcast %slice3A_143 : vector<1x128xf32> to vector<2048x128xf32>
    %add3A_146 = arith.addf %add3A_144, %add3A_145 : vector<2048x128xf32>
    %slice3A_147 = vector.extract_strided_slice %dot_general3A_6 {offsets = [0, 1280], sizes = [2048, 128], strides = [1, 1]} : vector<2048x2048xf32> to vector<2048x128xf32>
    %mul3A_148 = arith.constant 2.000000e+00 : f32
    %mul3A_149 = vector.broadcast %mul3A_148 : f32 to vector<2048x128xf32>
    %mul3A_150 = arith.mulf %mul3A_149, %slice3A_147 : vector<2048x128xf32>
    %sub3A_151 = arith.subf %add3A_146, %mul3A_150 : vector<2048x128xf32>
    %lt3A_152 = arith.cmpf olt, %sub3A_151, %select_n3A_139 : vector<2048x128xf32>
    %select_n3A_153 = arith.select %lt3A_152, %sub3A_151, %select_n3A_139 : vector<2048x128xi1>, vector<2048x128xf32>
    %jit3A_154 = arith.constant 1.000000e+01 : f32
    %broadcast_in_dim3A_155 = vector.broadcast %jit3A_154 : f32 to vector<2048x128xf32>
    %select_n3A_156 = arith.select %lt3A_152, %broadcast_in_dim3A_155, %select_n3A_142 : vector<2048x128xi1>, vector<2048x128xf32>
    %slice3A_157 = vector.extract_strided_slice %broadcast_in_dim3A_11 {offsets = [0, 1408], sizes = [1, 128], strides = [1, 1]} : vector<1x2048xf32> to vector<1x128xf32>
    %add3A_158 = vector.broadcast %broadcast_in_dim3A : vector<2048x1xf32> to vector<2048x128xf32>
    %add3A_159 = vector.broadcast %slice3A_157 : vector<1x128xf32> to vector<2048x128xf32>
    %add3A_160 = arith.addf %add3A_158, %add3A_159 : vector<2048x128xf32>
    %slice3A_161 = vector.extract_strided_slice %dot_general3A_6 {offsets = [0, 1408], sizes = [2048, 128], strides = [1, 1]} : vector<2048x2048xf32> to vector<2048x128xf32>
    %mul3A_162 = arith.constant 2.000000e+00 : f32
    %mul3A_163 = vector.broadcast %mul3A_162 : f32 to vector<2048x128xf32>
    %mul3A_164 = arith.mulf %mul3A_163, %slice3A_161 : vector<2048x128xf32>
    %sub3A_165 = arith.subf %add3A_160, %mul3A_164 : vector<2048x128xf32>
    %lt3A_166 = arith.cmpf olt, %sub3A_165, %select_n3A_153 : vector<2048x128xf32>
    %select_n3A_167 = arith.select %lt3A_166, %sub3A_165, %select_n3A_153 : vector<2048x128xi1>, vector<2048x128xf32>
    %jit3A_168 = arith.constant 1.100000e+01 : f32
    %broadcast_in_dim3A_169 = vector.broadcast %jit3A_168 : f32 to vector<2048x128xf32>
    %select_n3A_170 = arith.select %lt3A_166, %broadcast_in_dim3A_169, %select_n3A_156 : vector<2048x128xi1>, vector<2048x128xf32>
    %slice3A_171 = vector.extract_strided_slice %broadcast_in_dim3A_11 {offsets = [0, 1536], sizes = [1, 128], strides = [1, 1]} : vector<1x2048xf32> to vector<1x128xf32>
    %add3A_172 = vector.broadcast %broadcast_in_dim3A : vector<2048x1xf32> to vector<2048x128xf32>
    %add3A_173 = vector.broadcast %slice3A_171 : vector<1x128xf32> to vector<2048x128xf32>
    %add3A_174 = arith.addf %add3A_172, %add3A_173 : vector<2048x128xf32>
    %slice3A_175 = vector.extract_strided_slice %dot_general3A_6 {offsets = [0, 1536], sizes = [2048, 128], strides = [1, 1]} : vector<2048x2048xf32> to vector<2048x128xf32>
    %mul3A_176 = arith.constant 2.000000e+00 : f32
    %mul3A_177 = vector.broadcast %mul3A_176 : f32 to vector<2048x128xf32>
    %mul3A_178 = arith.mulf %mul3A_177, %slice3A_175 : vector<2048x128xf32>
    %sub3A_179 = arith.subf %add3A_174, %mul3A_178 : vector<2048x128xf32>
    %lt3A_180 = arith.cmpf olt, %sub3A_179, %select_n3A_167 : vector<2048x128xf32>
    %select_n3A_181 = arith.select %lt3A_180, %sub3A_179, %select_n3A_167 : vector<2048x128xi1>, vector<2048x128xf32>
    %jit3A_182 = arith.constant 1.200000e+01 : f32
    %broadcast_in_dim3A_183 = vector.broadcast %jit3A_182 : f32 to vector<2048x128xf32>
    %select_n3A_184 = arith.select %lt3A_180, %broadcast_in_dim3A_183, %select_n3A_170 : vector<2048x128xi1>, vector<2048x128xf32>
    %slice3A_185 = vector.extract_strided_slice %broadcast_in_dim3A_11 {offsets = [0, 1664], sizes = [1, 128], strides = [1, 1]} : vector<1x2048xf32> to vector<1x128xf32>
    %add3A_186 = vector.broadcast %broadcast_in_dim3A : vector<2048x1xf32> to vector<2048x128xf32>
    %add3A_187 = vector.broadcast %slice3A_185 : vector<1x128xf32> to vector<2048x128xf32>
    %add3A_188 = arith.addf %add3A_186, %add3A_187 : vector<2048x128xf32>
    %slice3A_189 = vector.extract_strided_slice %dot_general3A_6 {offsets = [0, 1664], sizes = [2048, 128], strides = [1, 1]} : vector<2048x2048xf32> to vector<2048x128xf32>
    %mul3A_190 = arith.constant 2.000000e+00 : f32
    %mul3A_191 = vector.broadcast %mul3A_190 : f32 to vector<2048x128xf32>
    %mul3A_192 = arith.mulf %mul3A_191, %slice3A_189 : vector<2048x128xf32>
    %sub3A_193 = arith.subf %add3A_188, %mul3A_192 : vector<2048x128xf32>
    %lt3A_194 = arith.cmpf olt, %sub3A_193, %select_n3A_181 : vector<2048x128xf32>
    %select_n3A_195 = arith.select %lt3A_194, %sub3A_193, %select_n3A_181 : vector<2048x128xi1>, vector<2048x128xf32>
    %jit3A_196 = arith.constant 1.300000e+01 : f32
    %broadcast_in_dim3A_197 = vector.broadcast %jit3A_196 : f32 to vector<2048x128xf32>
    %select_n3A_198 = arith.select %lt3A_194, %broadcast_in_dim3A_197, %select_n3A_184 : vector<2048x128xi1>, vector<2048x128xf32>
    %slice3A_199 = vector.extract_strided_slice %broadcast_in_dim3A_11 {offsets = [0, 1792], sizes = [1, 128], strides = [1, 1]} : vector<1x2048xf32> to vector<1x128xf32>
    %add3A_200 = vector.broadcast %broadcast_in_dim3A : vector<2048x1xf32> to vector<2048x128xf32>
    %add3A_201 = vector.broadcast %slice3A_199 : vector<1x128xf32> to vector<2048x128xf32>
    %add3A_202 = arith.addf %add3A_200, %add3A_201 : vector<2048x128xf32>
    %slice3A_203 = vector.extract_strided_slice %dot_general3A_6 {offsets = [0, 1792], sizes = [2048, 128], strides = [1, 1]} : vector<2048x2048xf32> to vector<2048x128xf32>
    %mul3A_204 = arith.constant 2.000000e+00 : f32
    %mul3A_205 = vector.broadcast %mul3A_204 : f32 to vector<2048x128xf32>
    %mul3A_206 = arith.mulf %mul3A_205, %slice3A_203 : vector<2048x128xf32>
    %sub3A_207 = arith.subf %add3A_202, %mul3A_206 : vector<2048x128xf32>
    %lt3A_208 = arith.cmpf olt, %sub3A_207, %select_n3A_195 : vector<2048x128xf32>
    %select_n3A_209 = arith.select %lt3A_208, %sub3A_207, %select_n3A_195 : vector<2048x128xi1>, vector<2048x128xf32>
    %jit3A_210 = arith.constant 1.400000e+01 : f32
    %broadcast_in_dim3A_211 = vector.broadcast %jit3A_210 : f32 to vector<2048x128xf32>
    %select_n3A_212 = arith.select %lt3A_208, %broadcast_in_dim3A_211, %select_n3A_198 : vector<2048x128xi1>, vector<2048x128xf32>
    %slice3A_213 = vector.extract_strided_slice %broadcast_in_dim3A_11 {offsets = [0, 1920], sizes = [1, 128], strides = [1, 1]} : vector<1x2048xf32> to vector<1x128xf32>
    %add3A_214 = vector.broadcast %broadcast_in_dim3A : vector<2048x1xf32> to vector<2048x128xf32>
    %add3A_215 = vector.broadcast %slice3A_213 : vector<1x128xf32> to vector<2048x128xf32>
    %add3A_216 = arith.addf %add3A_214, %add3A_215 : vector<2048x128xf32>
    %slice3A_217 = vector.extract_strided_slice %dot_general3A_6 {offsets = [0, 1920], sizes = [2048, 128], strides = [1, 1]} : vector<2048x2048xf32> to vector<2048x128xf32>
    %mul3A_218 = arith.constant 2.000000e+00 : f32
    %mul3A_219 = vector.broadcast %mul3A_218 : f32 to vector<2048x128xf32>
    %mul3A_220 = arith.mulf %mul3A_219, %slice3A_217 : vector<2048x128xf32>
    %sub3A_221 = arith.subf %add3A_216, %mul3A_220 : vector<2048x128xf32>
    %lt3A_222 = arith.cmpf olt, %sub3A_221, %select_n3A_209 : vector<2048x128xf32>
    %select_n3A_223 = arith.select %lt3A_222, %sub3A_221, %select_n3A_209 : vector<2048x128xi1>, vector<2048x128xf32>
    %jit3A_224 = arith.constant 1.500000e+01 : f32
    %broadcast_in_dim3A_225 = vector.broadcast %jit3A_224 : f32 to vector<2048x128xf32>
    %select_n3A_226 = arith.select %lt3A_222, %broadcast_in_dim3A_225, %select_n3A_212 : vector<2048x128xi1>, vector<2048x128xf32>
    %iota3A = tpu.iota {dimensions = array<i32: 1>} : vector<2048x128xi32>
    %convert_element_type3A_227 = arith.sitofp %iota3A : vector<2048x128xi32> to vector<2048x128xf32>
    %mul3A_228 = arith.constant 1.280000e+02 : f32
    %mul3A_229 = vector.broadcast %mul3A_228 : f32 to vector<2048x128xf32>
    %mul3A_230 = arith.mulf %select_n3A_226, %mul3A_229 : vector<2048x128xf32>
    %add3A_231 = arith.addf %mul3A_230, %convert_element_type3A_227 : vector<2048x128xf32>
    %reduce_min3A = arith.constant dense<0x7F800000> : vector<2048xf32>
    %reduce_min3A_232 = vector.multi_reduction <minimumf>, %select_n3A_223, %reduce_min3A [1] : vector<2048x128xf32> to vector<2048xf32>
    %broadcast_in_dim3A_233 = vector.shape_cast %reduce_min3A_232 : vector<2048xf32> to vector<2048x1xf32>
    %eq3A = vector.broadcast %broadcast_in_dim3A_233 : vector<2048x1xf32> to vector<2048x128xf32>
    %eq3A_234 = arith.cmpf oeq, %select_n3A_223, %eq3A : vector<2048x128xf32>
    %jit3A_235 = arith.constant 1.07374182E+9 : f32
    %broadcast_in_dim3A_236 = vector.broadcast %jit3A_235 : f32 to vector<2048x128xf32>
    %select_n3A_237 = arith.select %eq3A_234, %add3A_231, %broadcast_in_dim3A_236 : vector<2048x128xi1>, vector<2048x128xf32>
    %reduce_min3A_238 = arith.constant dense<0x7F800000> : vector<2048xf32>
    %reduce_min3A_239 = vector.multi_reduction <minimumf>, %select_n3A_237, %reduce_min3A_238 [1] : vector<2048x128xf32> to vector<2048xf32>
    %broadcast_in_dim3A_240 = vector.shape_cast %reduce_min3A_239 : vector<2048xf32> to vector<2048x1xf32>
    %convert_element_type3A_241 = arith.fptosi %broadcast_in_dim3A_240 : vector<2048x1xf32> to vector<2048x1xi32>
    %mul3A_242 = arith.constant 2048 : i32
    %mul3A_243 = arith.muli %arg1, %mul3A_242 : i32
    %add3A_244 = vector.broadcast %mul3A_243 : i32 to vector<2048x1xi32>
    %add3A_245 = arith.addi %convert_element_type3A_241, %add3A_244 : vector<2048x1xi32>
    %convert_element_type3A_246 = arith.truncf %broadcast_in_dim3A_233 : vector<2048x1xf32> to vector<2048x1xbf16>
    %convert_element_type3A_247 = arith.extf %convert_element_type3A_246 : vector<2048x1xbf16> to vector<2048x1xf32>
    %eq3A_248 = arith.constant 0 : i32
    %eq3A_249 = arith.cmpi eq, %arg1, %eq3A_248 : i32
    %convert_element_type3A_250 = arith.extui %eq3A_249 : i1 to i32
    %cond3A = arith.constant 0 : i32
    %cond3A_251 = arith.cmpi ne, %convert_element_type3A_250, %cond3A : i32
    scf.if %cond3A_251 {
      %swap3A = arith.constant 0 : index
      %swap3A_261 = arith.constant 0 : index
      %swap3A_262 = vector.load %arg6[%swap3A, %swap3A_261] : memref<2048x1xf32, #tpu.memory_space<vmem>>, vector<2048x1xf32>
      tpu.vector_store %arg6[%swap3A, %swap3A_261], %convert_element_type3A_247 {strides = array<i32>} : memref<2048x1xf32, #tpu.memory_space<vmem>>, vector<2048x1xf32>,
      %swap3A_263 = arith.constant 0 : index
      %swap3A_264 = arith.constant 0 : index
      %swap3A_265 = vector.load %arg7[%swap3A_263, %swap3A_264] : memref<2048x1xi32, #tpu.memory_space<vmem>>, vector<2048x1xi32>
      tpu.vector_store %arg7[%swap3A_263, %swap3A_264], %add3A_245 {strides = array<i32>} : memref<2048x1xi32, #tpu.memory_space<vmem>>, vector<2048x1xi32>,
      %swap3A_266 = arith.constant 0 : index
      %swap3A_267 = arith.constant 0 : index
      %swap3A_268 = vector.load %arg8[%swap3A_266, %swap3A_267] : memref<2048x1xf32, #tpu.memory_space<vmem>>, vector<2048x1xf32>
      tpu.vector_store %arg8[%swap3A_266, %swap3A_267], %broadcast_in_dim3A_233 {strides = array<i32>} : memref<2048x1xf32, #tpu.memory_space<vmem>>, vector<2048x1xf32>,
    } else {
    }
    %gt3A = arith.constant 0 : i32
    %gt3A_252 = arith.cmpi sgt, %arg1, %gt3A : i32
    %convert_element_type3A_253 = arith.extui %gt3A_252 : i1 to i32
    %cond3A_254 = arith.constant 0 : i32
    %cond3A_255 = arith.cmpi ne, %convert_element_type3A_253, %cond3A_254 : i32
    scf.if %cond3A_255 {
      %get3A_261 = arith.constant 0 : index
      %get3A_262 = arith.constant 0 : index
      %get3A_263 = vector.load %arg6[%get3A_261, %get3A_262] : memref<2048x1xf32, #tpu.memory_space<vmem>>, vector<2048x1xf32>
      %lt3A_264 = arith.cmpf olt, %broadcast_in_dim3A_233, %get3A_263 : vector<2048x1xf32>
      %get3A_265 = arith.constant 0 : index
      %get3A_266 = arith.constant 0 : index
      %get3A_267 = vector.load %arg6[%get3A_265, %get3A_266] : memref<2048x1xf32, #tpu.memory_space<vmem>>, vector<2048x1xf32>
      %select_n3A_268 = arith.select %lt3A_264, %convert_element_type3A_247, %get3A_267 : vector<2048x1xi1>, vector<2048x1xf32>
      %swap3A = arith.constant 0 : index
      %swap3A_269 = arith.constant 0 : index
      %swap3A_270 = vector.load %arg6[%swap3A, %swap3A_269] : memref<2048x1xf32, #tpu.memory_space<vmem>>, vector<2048x1xf32>
      tpu.vector_store %arg6[%swap3A, %swap3A_269], %select_n3A_268 {strides = array<i32>} : memref<2048x1xf32, #tpu.memory_space<vmem>>, vector<2048x1xf32>,
      %get3A_271 = arith.constant 0 : index
      %get3A_272 = arith.constant 0 : index
      %get3A_273 = vector.load %arg7[%get3A_271, %get3A_272] : memref<2048x1xi32, #tpu.memory_space<vmem>>, vector<2048x1xi32>
      %select_n3A_274 = arith.select %lt3A_264, %add3A_245, %get3A_273 : vector<2048x1xi1>, vector<2048x1xi32>
      %swap3A_275 = arith.constant 0 : index
      %swap3A_276 = arith.constant 0 : index
      %swap3A_277 = vector.load %arg7[%swap3A_275, %swap3A_276] : memref<2048x1xi32, #tpu.memory_space<vmem>>, vector<2048x1xi32>
      tpu.vector_store %arg7[%swap3A_275, %swap3A_276], %select_n3A_274 {strides = array<i32>} : memref<2048x1xi32, #tpu.memory_space<vmem>>, vector<2048x1xi32>,
      %get3A_278 = arith.constant 0 : index
      %get3A_279 = arith.constant 0 : index
      %get3A_280 = vector.load %arg8[%get3A_278, %get3A_279] : memref<2048x1xf32, #tpu.memory_space<vmem>>, vector<2048x1xf32>
      %select_n3A_281 = arith.select %lt3A_264, %broadcast_in_dim3A_233, %get3A_280 : vector<2048x1xi1>, vector<2048x1xf32>
      %swap3A_282 = arith.constant 0 : index
      %swap3A_283 = arith.constant 0 : index
      %swap3A_284 = vector.load %arg8[%swap3A_282, %swap3A_283] : memref<2048x1xf32, #tpu.memory_space<vmem>>, vector<2048x1xf32>
      tpu.vector_store %arg8[%swap3A_282, %swap3A_283], %select_n3A_281 {strides = array<i32>} : memref<2048x1xf32, #tpu.memory_space<vmem>>, vector<2048x1xf32>,
    } else {
    }
    %eq3A_256 = arith.constant 3 : i32
    %eq3A_257 = arith.cmpi eq, %arg1, %eq3A_256 : i32
    %convert_element_type3A_258 = arith.extui %eq3A_257 : i1 to i32
    %cond3A_259 = arith.constant 0 : i32
    %cond3A_260 = arith.cmpi ne, %convert_element_type3A_258, %cond3A_259 : i32
    scf.if %cond3A_260 {
      %get3A_261 = arith.constant 0 : index
      %get3A_262 = arith.constant 0 : index
      %get3A_263 = vector.load %arg7[%get3A_261, %get3A_262] : memref<2048x1xi32, #tpu.memory_space<vmem>>, vector<2048x1xi32>
      %swap3A = arith.constant 0 : index
      %swap3A_264 = arith.constant 0 : index
      %swap3A_265 = vector.load %arg4[%swap3A, %swap3A_264] : memref<2048x1xi32, #tpu.memory_space<vmem>>, vector<2048x1xi32>
      tpu.vector_store %arg4[%swap3A, %swap3A_264], %get3A_263 {strides = array<i32>} : memref<2048x1xi32, #tpu.memory_space<vmem>>, vector<2048x1xi32>,
      %get3A_266 = arith.constant 0 : index
      %get3A_267 = arith.constant 0 : index
      %get3A_268 = vector.load %arg8[%get3A_266, %get3A_267] : memref<2048x1xf32, #tpu.memory_space<vmem>>, vector<2048x1xf32>
      %reduce_sum3A_269 = vector.shape_cast %get3A_268 : vector<2048x1xf32> to vector<1x2048x1xf32>
      %reduce_sum3A_270 = arith.constant dense<0.000000e+00> : vector<1xf32>
      %reduce_sum3A_271 = vector.multi_reduction <add>, %reduce_sum3A_269, %reduce_sum3A_270 [1, 2] : vector<1x2048x1xf32> to vector<1xf32>
      %reduce_sum3A_272 = vector.shape_cast %reduce_sum3A_271 : vector<1xf32> to vector<1x1x1xf32>
      %reduce_sum3A_273 = vector.extract %reduce_sum3A_272[0, 0, 0] : f32 from vector<1x1x1xf32>
      %eq3A_274 = arith.constant 0 : i32
      %eq3A_275 = arith.cmpi eq, %arg0, %eq3A_274 : i32
      %get3A_276 = arith.constant 0 : index
      %get3A_277 = arith.constant 0 : index
      %get3A_278 = memref.load %arg9[%get3A_276, %get3A_277] : memref<1x1xf32, #tpu.memory_space<smem>>
      %jit3A_279 = arith.constant 0.000000e+00 : f32
      %select_n3A_280 = arith.select %eq3A_275, %jit3A_279, %get3A_278 : f32
      %add3A_281 = arith.addf %select_n3A_280, %reduce_sum3A_273 : f32
      %swap3A_282 = arith.constant 0 : index
      %swap3A_283 = arith.constant 0 : index
      %swap3A_284 = memref.load %arg9[%swap3A_282, %swap3A_283] : memref<1x1xf32, #tpu.memory_space<smem>>
      memref.store %add3A_281, %arg9[%swap3A_282, %swap3A_283] : memref<1x1xf32, #tpu.memory_space<smem>>
      %mul3A_285 = arith.constant 2.38418579E-6 : f32
      %mul3A_286 = arith.mulf %add3A_281, %mul3A_285 : f32
      %broadcast_in_dim3A_287 = vector.broadcast %mul3A_286 : f32 to vector<1x1xf32>
      %swap3A_288 = arith.constant 0 : index
      %swap3A_289 = arith.constant 0 : index
      %swap3A_290 = vector.load %arg5[%swap3A_288, %swap3A_289] : memref<1x1xf32, #tpu.memory_space<vmem>>, vector<1x1xf32>
      tpu.vector_store %arg5[%swap3A_288, %swap3A_289], %broadcast_in_dim3A_287 {strides = array<i32>} : memref<1x1xf32, #tpu.memory_space<vmem>>, vector<1x1xf32>,
    } else {
    }
    return
  }
  func.func @transform_0(%arg0: i32, %arg1: i32) -> (i32, i32) {
    %c0_i32 = arith.constant 0 : i32
    %c0_i32_0 = arith.constant 0 : i32
    return %arg0, %c0_i32 : i32, i32
  }
  func.func @transform_1(%arg0: i32, %arg1: i32) -> (i32, i32) {
    %c0_i32 = arith.constant 0 : i32
    %c0_i32_0 = arith.constant 0 : i32
    return %arg1, %c0_i32 : i32, i32
  }
  func.func @transform_2(%arg0: i32, %arg1: i32) -> (i32, i32) {
    %c0_i32 = arith.constant 0 : i32
    %c0_i32_0 = arith.constant 0 : i32
    return %arg0, %c0_i32 : i32, i32
  }
  func.func @transform_3(%arg0: i32, %arg1: i32) -> (i32, i32) {
    %c0_i32 = arith.constant 0 : i32
    %c0_i32_0 = arith.constant 0 : i32
    %c0_i32_1 = arith.constant 0 : i32
    return %c0_i32, %c0_i32_0 : i32, i32
  }
}

</mosaic_0001>

<sc_bundles>
// kernel: kernel.4.cloned.1.call-start
scs
__scs_entry_jumppad:
0x0: {  	(pc) =	sbr.rel $0x88, $3  }
0x1: {  	(tag) =	ssettag $0x0;
	lr =	simm.s32 $0x1  }
0x2: {  	[smem:$0x3F9F] =	sst lr;
	_ =	strace $0xD0000000  }
0x3: {  	_ = 	snop  }
0x4: {  	_ = 	snop  }
0x5: {  	_ = 	snop  }
0x6: {  	_ = 	snop  }
0x7: {  	_ = 	snop  }
__scs_overlays_trampoline_lowered:
0x8: {  	[smem:$0x3FAE] =	sst s0  }
0x9: {  	[smem:$0x3FAF] =	sst s1  }
0xa: {  	[smem:$0x3FB0] =	sst s2  }
0xb: {  	[smem:$0x3FB1] =	sst s3  }
0xc: {  	[smem:$0x3FB2] =	sst s4  }
0xd: {  	[smem:$0x3FB3] =	sst s5  }
0xe: {  	[smem:$0x3FB4] =	sst s6  }
0xf: {  	[smem:$0x3FB5] =	sst s7  }
0x10: {  	[smem:$0x3FB6] =	sst s8  }
0x11: {  	[smem:$0x3FB7] =	sst s9;
	s0 =	simm.s32 @!p0 $0x0  }
0x12: {  	s1 =	sld [smem:$0x3F9D];
	s0 =	simm.s32 @p0 $0x1  }
0x13: {  	[smem:$0x3FB8] =	sst s0;
	s0 =	simm.s32 @!p1 $0x0  }
0x14: {  	s2 =	sld [smem:$0x3F9C];
	s0 =	simm.s32 @p1 $0x1  }
0x15: {  	[smem:$0x3FB9] =	sst s0;
	s0 =	simm.s32 @!p2 $0x0  }
0x16: {  	s3 =	sld [smem:$0x3FDB];
	s0 =	simm.s32 @p2 $0x1  }
0x17: {  	s4 =	simm.s32 $0x1BF5;
	[smem:$0x3FBB] =	sst s0  }
0x18: {  	s0 =	sld [smem:$0x3F9E];
	_ =	swait.ge [sflag:s4], $0x0  }
0x19: {  	s7 =	sld [smem:$0x3F9F]  }
0x1a: {  	s8 =	sadd.s32 $0xFFFFE003, lr  }
0x1b: {  	s9 =	sadd.s32 $0xFFFFFEF7, lr;
	s5 =	simm.s32 $0xFFFFFFFF;
	p2 =	slt.u32 s8, $0xFFFFF086  }
0x1c: {  	p1 =	slt.u32 s9, $0xF7A;
	s5 =	simm.s32 @!p2 $0x0  }
0x1d: {  	s5 =	simm.s32 @p1 $0x1;
	p0 =	seq.s32 s7, s2  }
0x1e: {  	s7 =	smul.u32 @!p0 $0xF7A, s2;
	p2 =	seq.s32 @!p0 s5, $0x0  }
0x1f: {  	s9 =	smul.u32 $0xF7A, s1;
	s8 =	simm.s32 @!p0 $0x1BF5;
	p2 =	por !p2, p0  }
0x20: {  	[sflag:s8] =	ssyncset.s32 @!p0 $0xFFFFF086;
	s6 =	sadd.s32 @!p0 s3, s7;
	s7 =	simm.s32 @!p0 $0x108  }
0x21: {  	s3 =	sadd.s32 s3, s9;
	s6 =	sadd.s32 @!p0 $0x88, s6;
	s7 =	simm.s32 @p2 $0x1082  }
0x22: {  	[simem:s7], [sflag:s8] =	dma.local @!p0 [hbm:s6], $0xF7A  }
0x23: {  	s9 =	sor.u32 $0xD0000000, s2;
	s6 =	simm.s32 $0x108;
	_ =	swait.ge @!p0 [sflag:s8], $0x0  }
0x24: {  	s3 =	sadd.s32 $0x88, s3;
	s6 =	simm.s32 @!p1 $0x1082;
	[sflag:s4] =	ssyncset.s32 $0xFFFFF086  }
0x25: {  	[simem:s6], [sflag:s4] =	dma.local [hbm:s3], $0xF7A  }
0x26: {  	[smem:$0x3F9F] =	sst s1;
	(tag) =	ssettag s2;
	_ =	strace s9  }
0x27: {  	s1 =	sld [smem:$0x3FAF]  }
0x28: {  	s2 =	sld [smem:$0x3FB0]  }
0x29: {  	s4 =	sld [smem:$0x3FB2]  }
0x2a: {  	p0 =	seq.s32 s5, $0x0;
	s5 =	sld [smem:$0x3FB3]  }
0x2b: {  	s6 =	sld [smem:$0x3FB4]  }
0x2c: {  	s7 =	sld [smem:$0x3FB5]  }
0x2d: {  	s3 =	simm.s32 $0x108;
	s8 =	sld [smem:$0x3FB6]  }
0x2e: {  	s3 =	simm.s32 @!p0 $0x1082;
	s9 =	sld [smem:$0x3FB7]  }
0x2f: {  	lr =	sadd.s32 s0, s3;
	s0 =	sld [smem:$0x3FAE]  }
0x30: {  	s3 =	sld [smem:$0x3FB1]  }
0x31: {  	[smem:$0x3FBA] =	sst s10  }
0x32: {  	s10 =	sld [smem:$0x3FB8];
	_ =	sdelay $0x3  }
0x33: {  	p0 =	seq.s32 s10, $0x1;
	s10 =	sld [smem:$0x3FBA];
	_ =	sdelay $0x3  }
0x34: {  	[smem:$0x3FBA] =	sst s10  }
0x35: {  	s10 =	sld [smem:$0x3FB9];
	_ =	sdelay $0x3  }
0x36: {  	p1 =	seq.s32 s10, $0x1;
	s10 =	sld [smem:$0x3FBA];
	_ =	sdelay $0x3  }
0x37: {  	[smem:$0x3FBA] =	sst s10  }
0x38: {  	s10 =	sld [smem:$0x3FBB]  }
0x39: {  	_ = 	snop;
	(pc) =	sbr.ind lr, $3  }
0x3a: {  	_ = 	snop  }
0x3b: {  	_ = 	snop  }
0x3c: {  	p2 =	seq.s32 s10, $0x1;
	s10 =	sld [smem:$0x3FBA]  }
0x3d: {  	_ =	shalt  }
0x3e: {  	_ =	shalt  }
0x3f: {  	_ =	shalt  }
0x40: {  	_ =	shalt  }
0x41: {  	_ =	shalt  }
0x42: {  	_ =	shalt  }
0x43: {  	_ =	shalt  }
0x44: {  	_ =	shalt  }
0x45: {  	_ =	shalt  }
0x46: {  	_ =	shalt  }
0x47: {  	_ =	shalt  }
0x48: {  	_ =	shalt  }
0x49: {  	_ =	shalt  }
0x4a: {  	_ =	shalt  }
0x4b: {  	_ =	shalt  }
0x4c: {  	_ =	shalt  }
0x4d: {  	_ =	shalt  }
0x4e: {  	_ =	shalt  }
0x4f: {  	_ =	shalt  }
0x50: {  	_ =	shalt  }
0x51: {  	_ =	shalt  }
0x52: {  	_ =	shalt  }
0x53: {  	_ =	shalt  }
0x54: {  	_ =	shalt  }
0x55: {  	_ =	shalt  }
0x56: {  	_ =	shalt  }
0x57: {  	_ =	shalt  }
0x58: {  	_ =	shalt  }
0x59: {  	_ =	shalt  }
0x5a: {  	_ =	shalt  }
0x5b: {  	_ =	shalt  }
0x5c: {  	_ =	shalt  }
0x5d: {  	_ =	shalt  }
0x5e: {  	_ =	shalt  }
0x5f: {  	_ =	shalt  }
0x60: {  	_ =	shalt  }
0x61: {  	_ =	shalt  }
0x62: {  	_ =	shalt  }
0x63: {  	_ =	shalt  }
0x64: {  	_ =	shalt  }
0x65: {  	_ =	shalt  }
0x66: {  	_ =	shalt  }
0x67: {  	_ =	shalt  }
0x68: {  	_ =	shalt  }
0x69: {  	_ =	shalt  }
0x6a: {  	_ =	shalt  }
0x6b: {  	_ =	shalt  }
0x6c: {  	_ =	shalt  }
0x6d: {  	_ =	shalt  }
0x6e: {  	_ =	shalt  }
0x6f: {  	_ =	shalt  }
0x70: {  	_ =	shalt  }
0x71: {  	_ =	shalt  }
0x72: {  	_ =	shalt  }
0x73: {  	_ =	shalt  }
0x74: {  	_ =	shalt  }
0x75: {  	_ =	shalt  }
0x76: {  	_ =	shalt  }
0x77: {  	_ =	shalt  }
0x78: {  	_ =	shalt  }
0x79: {  	_ =	shalt  }
0x7a: {  	_ =	shalt  }
0x7b: {  	_ =	shalt  }
0x7c: {  	_ =	shalt  }
0x7d: {  	_ =	shalt  }
0x7e: {  	_ =	shalt  }
0x7f: {  	_ =	shalt  }
0x80: {  	_ =	shalt  }
0x81: {  	_ =	shalt  }
0x82: {  	_ =	shalt  }
0x83: {  	_ =	shalt  }
0x84: {  	_ =	shalt  }
0x85: {  	_ =	shalt  }
0x86: {  	_ =	shalt  }
0x87: {  	_ =	shalt  }
.Lfunc_end0:
.L_simem_size_0:
called_computation_lowered:
.L_overlay_start_0:
0x88: {  	s2 =	sld [smem:$0x3FD9]  }
0x89: {  	s3 =	sld [smem:$0x3FFE];
	_ =	sdelay $0x1  }
0x8a: {  	s1 =	srdreg.scid  }
0x8b: {  	s0 =	sand.u32 $0x1, s1  }
0x8c: {  	s14 =	sshll.u32 s0, $0xA;
	s2 =	sadd.s32 s3, s2  }
0x8d: {  	s2 =	sadd.s32 s2, s14  }
0x8e: {  	[smem:$0x3FC6] =	sst s2  }
0x8f: {  	_ = 	snop  }
0x90: {  	s2 =	sld [smem:$0x3FD0];
	_ =	sdelay $0x2  }
0x91: {  	s15 =	simm.s32 $0xA;
	s4 =	simm.s32 $0x10  }
0x92: {  	[smem:s4], [sflag:s15] =	dma.local [hbm:s2], $0x1  }
0x93: {  	_ =	swait.eq [sflag:s15], $0x1  }
0x94: {  	[sflag:s15] =	ssyncset.done $0x0  }
0x95: {  	[sflag:s15] =	ssyncadd.s32 $0xFFFFFFFF  }
0x96: {  	s16 =	sld [smem:$0x10];
	(tm) =	ssettm $0x1  }
0x97: {  	s17 =	sld [smem:$0x3FFB];
	_ =	sdelay $0x3  }
0x98: {  	_ =	strace s17  }
0x99: {  	s3 =	sld [smem:$0x3FFC];
	_ =	sdelay $0x3  }
0x9a: {  	_ =	strace s3  }
0x9b: {  	s3 =	sld [smem:$0x3FFD];
	_ =	sdelay $0x3  }
0x9c: {  	_ =	strace s3  }
0x9d: {  	_ =	strace $0x8FFFFFFF  }
0x9e: {  	s18 =	sld [smem:$0x3FDB];
	_ =	sdelay $0x1  }
0x9f: {  	s19 =	simm.s32 $_scs_section_size  }
0xa0: {  	s5 =	simm.s32 $_size__tile_overlayer_lowered;
	s6 =	simm.s32 $_tile_overlayer_lowered  }
0xa1: {  	s22 =	simm.s32 $0x1BFF;
	s21 =	sshll.u32 s6, $0x1;
	s3 =	sadd.s32 s19, s18  }
0xa2: {  	s7 =	simm.s32 $0x0;
	s20 =	sshll.u32 s5, $0x1;
	s5 =	sadd.s32 s21, s3  }
0xa3: {  	[timem:s7], [sflag:s22] =	dma.local [hbm:s5], s20  }
0xa4: {  	_ =	swait.ge [sflag:s22], s20  }
0xa5: {  	s4 =	ssub.s32 $0x0, s20;
	[sflag:s22] =	ssyncset.done $0x0  }
0xa6: {  	[sflag:s22] =	ssyncadd.s32 s4;
	_ =	sdelay $0x1  }
0xa7: {  	s23 =	simm.s32 $0x1B8B  }
0xa8: {  	_ =	swait.ge [sflag:s23], $0x1  }
0xa9: {  	[sflag:s23] =	ssyncset.done $0x0  }
0xaa: {  	s25 =	simm.s32 $0x1B8E;
	s24 =	sld [smem:$0x3FFE];
	[sflag:s23] =	ssyncadd.s32 $0xFFFFFFFF  }
0xab: {  	s26 =	simm.s32 $execute0_lowered;
	[smem:$0x3FD2] =	sst s25  }
0xac: {  	s5 =	sshll.u32 s26, $0x1;
	_ =	strace $0x80000046;
	[dreg:$0x1] =	wrdreg $0xFFFFFFFF  }
0xad: {  	s28 =	simm.s32 $_size_execute0_lowered;
	s3 =	sadd.s32 s3, s5;
	[dreg:$0x0] =	wrdreg $0x0  }
0xae: {  	s5 =	sshll.u32 s28, $0x1;
	[dreg:$0x2] =	wrdreg s3  }
0xaf: {  	[dreg:$0x3] =	wrdreg s5  }
0xb0: {  	[dreg:$0x4] =	wrdreg $0xC0  }
0xb1: {  	_ =	task [dreg:s7], $0x5FFFF  }
0xb2: {  	[dreg:$0x1] =	wrdreg $0xFFFFFFFF  }
0xb3: {  	[dreg:$0x0] =	wrdreg $0x60  }
0xb4: {  	[dreg:$0x2] =	wrdreg s16  }
0xb5: {  	[dreg:$0x3] =	wrdreg s24  }
0xb6: {  	[dreg:$0x4] =	wrdreg $0x9  }
0xb7: {  	_ =	task.clear_ibuf [dreg:s7], $0x5FFFF;
	_ =	strace $0x90000046  }
0xb8: {  	s29 =	simm.s32 $0x9;
	_ =	strace $0x80000048  }
0xb9: {  	_ =	swait.ge [sflag:s29], $0x1  }
0xba: {  	[sflag:s29] =	ssyncadd.s32 $0xFFFFFFFF  }
0xbb: {  	_ =	strace $0x90000048  }
0xbc: {  	_ =	sfence  }
0xbd: {  	s30 =	sld [smem:$0x0];
	_ =	sdelay $0x2  }
0xbe: {  	s31 =	sshll.u32 s1, $0xD;
	s1 =	sshrl.u32 s1, $0x2  }
0xbf: {  	s3 =	sand.u32 $0x4000, s31;
	s1 =	sadd.s32 s1, s30  }
0xc0: {  	s0 =	sor.u32 s3, s0;
	s1 =	sshll.u32 s1, $0x11  }
0xc1: {  	s0 =	sor.u32 s1, s0  }
0xc2: {  	s0 =	sadd.s32 $0x8F2B, s0  }
0xc3: {  	[sflag:s0] =	ssyncadd.remote.s32 $0x1  }
0xc4: {  	_ =	sfence.sel $0xFFFF  }
0xc5: {  	[dreg:$0x0] =	wrdreg $0xFFFFFFFF;
	(pc) =	sbr.abs _section_cstart, $3  }
0xc6: {  	[dreg:$0x1] =	wrdreg $0xFFFFFFFF  }
0xc7: {  	_ =	task.clear_ibuf [dreg:s7], $0x2FFFF;
	_ =	strace $0x9FFFFFFF  }
0xc8: {  	(tm) =	ssettm $0x7FFFFFFF  }
0xc9: {  	_ =	shalt  }
tec
execute0_lowered:
.L_overlay_start_1:
0x0: {  	(tag) =	ssettag $0x1  }
0x1: {  	s1 =	srdreg.scid;
	s0 =	stileid.u32  }
0x2: {  	s2 =	rddreg [dreg:$0x0];
	s10 =	sand.u32 $0x1, s1;
	s29 =	sshll.u32 s0, $0x1  }
0x3: {  	s11 =	rddreg [dreg:$0x1];
	s12 =	sor.u32 s10, s29  }
0x4: {  	s3 =	simm.s32 $0x0;
	s1 =	rddreg [dreg:$0x2];
	s4 =	sshll.u32 s12, $0x5  }
0x5: {  	[smem:$0x7FF] =	sst s3;
	s4 =	sadd.s32 s4, s11  }
0x6: {  	_ =	strace $0x80000047;
	s5 =	sadd.s32 $0x400, s4;
	s4 =	simm.s32 $0x2  }
0x7: {  	[tilespmem:s3], [sflag:$0x2] =	stream.linear.gather [hbm4b:s5+s3], $0x100, $0x38;
	[tilespmem:$0x4100] =	vst v63  }
0x8: {  	_ =	swait.ge [sflag:s4], $0x100  }
0x9: {  	[sflag:s4] =	ssyncset.done $0x0  }
0xa: {  	s6 =	simm.s32 $0x80;
	s7 =	simm.s32 $0x100;
	[sflag:s4] =	ssyncadd.s32 $0xFFFFFF00  }
0xb: {  	[tilespmem:s7], [sflag:$0x1] =	stream.indirect.gather [hbm4b:s2+s6], $0x40, s3, s6, $0xb8;
	[tilespmem:$0x4100] =	vst v63  }
0xc: {  	s8 =	simm.s32 $0x2100;
	s9 =	simm.s32 $0x1;
	s10 =	ssub.s32 $0x2, s10  }
0xd: {  	[tilespmem:s8], [sflag:$0x1] =	stream.indirect.gather [hbm4b:s2+s6], $0x40, s6, s6, $0xb8;
	[tilespmem:$0x4100] =	vst v63  }
0xe: {  	s13 =	sshrl.u32 s10, $0x1;
	_ =	swait.ge [sflag:s9], $0x2000  }
0xf: {  	s30 =	ssub.s32 s10, s13;
	[sflag:s9] =	ssyncset.done $0x0  }
0x10: {  	s31 =	smax.u32 s30, $0x1;
	[sflag:s9] =	ssyncadd.s32 $0xFFFFE000  }
0x11: {  	s12 =	sshll.u32 s12, $0xB;
	p0 =	sne.s32 s31, $0x1;
	_ =	swait.ge [sflag:s9], $0x2000  }
.Ltmp0:
0x12: {  	s11 =	sadd.s32 s12, s11;
	[sflag:s9] =	ssyncset.done $0x0;
	(pc) =	sbr.rel @!p0 .LBB2_2-.Ltmp0, $4  }
0x13: {  	s10 =	sadd.s32 $0x800, s11;
	[sflag:s9] =	ssyncadd.s32 $0xFFFFE000  }
0x14: {  	[hbm4b:s10+s3] =	stream.linear.scatter [tilespmem:s7], [sflag:$0x2], $0x4000, $0x38;
	[tilespmem:$0x4100] =	vst v63  }
0x15: {  	_ =	swait.ge [sflag:s4], $0x4000  }
0x16: {  	s11 =	sadd.s32 $0xFFFFFFFF, s31;
	[sflag:s4] =	ssyncset.done $0x0  }
.LBB2_1:
0x17: {  	p0 =	sne.s32 s11, $0x1;
	s11 =	sadd.s32 $0xFFFFFFFF, s11;
	[sflag:s4] =	ssyncadd.s32 $0xFFFFC000  }
0x18: {  	[tilespmem:s3], [sflag:$0x2] =	stream.linear.gather [hbm4b:s5+s3], $0x100, $0x38;
	[tilespmem:$0x4100] =	vst v63  }
0x19: {  	_ =	swait.ge [sflag:s4], $0x100  }
0x1a: {  	[sflag:s4] =	ssyncset.done $0x0  }
0x1b: {  	[sflag:s4] =	ssyncadd.s32 $0xFFFFFF00  }
0x1c: {  	[tilespmem:s7], [sflag:$0x1] =	stream.indirect.gather [hbm4b:s2+s6], $0x40, s3, s6, $0xb8;
	[tilespmem:$0x4100] =	vst v63  }
0x1d: {  	_ = 	snop  }
0x1e: {  	[tilespmem:s8], [sflag:$0x1] =	stream.indirect.gather [hbm4b:s2+s6], $0x40, s6, s6, $0xb8;
	[tilespmem:$0x4100] =	vst v63  }
0x1f: {  	_ =	swait.ge [sflag:s9], $0x2000  }
0x20: {  	[sflag:s9] =	ssyncset.done $0x0  }
0x21: {  	[sflag:s9] =	ssyncadd.s32 $0xFFFFE000  }
0x22: {  	_ =	swait.ge [sflag:s9], $0x2000  }
.Ltmp1:
0x23: {  	[sflag:s9] =	ssyncset.done $0x0;
	(pc) =	sbr.rel @p0 .LBB2_1-.Ltmp1, $4  }
0x24: {  	[sflag:s9] =	ssyncadd.s32 $0xFFFFE000  }
0x25: {  	[hbm4b:s10+s3] =	stream.linear.scatter [tilespmem:s7], [sflag:$0x2], $0x4000, $0x38;
	[tilespmem:$0x4100] =	vst v63  }
0x26: {  	_ =	swait.ge [sflag:s4], $0x4000  }
0x27: {  	[sflag:s4] =	ssyncset.done $0x0  }
.LBB2_2:
0x28: {  	[sflag:s4] =	ssyncadd.s32 $0xFFFFC000  }
0x29: {  	_ =	sfence.sel $0x180000  }
0x2a: {  	[bflag:$0x0] =	sbarrier.arrive $0xFFFF  }
0x2b: {  	p0 =	sne.s32 s0, $0x0;
	_ =	strace $0x90000047  }
0x2c: {  	s0 =	sadd.s32 @!p0 $0x100000, s1;
	[bflag:$0x2] =	sbarrier.arrive $0xFFFF  }
0x2d: {  	[sflag:s0] =	ssyncadd.tile.s32 @!p0 $0x1;
	_ =	shalt  }
.Lfunc_end2:
_tile_overlayer_lowered:
.L_overlay_start_2:
0x2e: {  	(tag) =	ssettag $0x2  }
0x2f: {  	s0 =	rddreg [dreg:$0x0];
	s2 =	stileid.u32  }
0x30: {  	s1 =	rddreg [dreg:$0x1];
	p0 =	sne.s32 s2, $0x0  }
0x31: {  	s3 =	rddreg [dreg:$0x2];
	[bflag:$0x3] =	sbarrier.arrive $0xFFFF;
	s2 =	simm.s32 @!p0 $0x1C02  }
0x32: {  	[timem:s3], [sflag:s2] =	dma.local @!p0 [hbm:s0], s1  }
0x33: {  	s0 =	simm.s32 @!p0 $0x2  }
0x34: {  	_ =	swait.ge @!p0 [sflag:s0], s1  }
0x35: {  	s1 =	ssub.s32 @!p0 $0x0, s1;
	[sflag:s0] =	ssyncset.done @!p0 $0x0  }
0x36: {  	[sflag:s0] =	ssyncadd.s32 @!p0 s1  }
0x37: {  	[bflag:$0x3] =	sbarrier.arrive $0xFFFF  }
0x38: {  	_ =	shalt  }

</sc_bundles>
